<compile_context>
chip_gen: v7x
topology: tpu7x:2x2x1
jax: 0.10.2.dev20260603
libtpu: 0.0.44.dev20260713+nightly
codegen_flags: <defaults>
</compile_context>

<pallas_src>
import functools

import jax
import jax.numpy as jnp
from jax import lax
from jax.experimental import pallas as pl
from jax.experimental.pallas import tpu as pltpu
from jax.experimental.pallas import tpu_sc as plsc

EMB = 32
B = 4096
L = 200
UPWEIGHT = 10.0
INV_DENOM = 1.0 / (L + UPWEIGHT - 1.0)

NC = 2
NS = 16
NW = NC * NS
BPW = B // NW
G0 = 128
G1 = L - G0
REDUCE_UNROLL = 8


def _sc_body(tokens_hbm, flagged_hbm, table_hbm, out_hbm,
             tokens_v, flagged_v, flag_tok_v, buf0, buf1, out_v,
             flag_rows_v, sem0, sem1, semf):
    wid = lax.axis_index("s") * NC + lax.axis_index("c")
    base = wid * BPW

    pltpu.sync_copy(tokens_hbm.at[pl.ds(base * L, BPW * L)], tokens_v)
    pltpu.sync_copy(flagged_hbm.at[pl.ds(base, BPW)], flagged_v)

    def start_row(r, buf, sem):
        pltpu.async_copy(table_hbm.at[tokens_v.at[pl.ds(r * L, G0)]],
                         buf.at[pl.ds(0, G0)], sem)
        pltpu.async_copy(table_hbm.at[tokens_v.at[pl.ds(r * L + G0, G1)]],
                         buf.at[pl.ds(G0, G1)], sem)

    def wait_row(buf, sem):
        pltpu.make_async_copy(table_hbm.at[tokens_v.at[pl.ds(0, G0)]],
                              buf.at[pl.ds(0, G0)], sem).wait()
        pltpu.make_async_copy(table_hbm.at[tokens_v.at[pl.ds(G0, G1)]],
                              buf.at[pl.ds(G0, G1)], sem).wait()

    def reduce_row(r, buf):
        zero = jnp.zeros((16,), jnp.float32)

        def red(l, acc):
            a0, a1 = acc
            a0 = a0 + buf[l, pl.ds(0, 16)]
            a1 = a1 + buf[l, pl.ds(16, 16)]
            return (a0, a1)

        a0, a1 = lax.fori_loop(0, L, red, (zero, zero),
                               unroll=REDUCE_UNROLL)
        out_v[r, pl.ds(0, 16)] = a0
        out_v[r, pl.ds(16, 16)] = a1

    lane = lax.iota(jnp.int32, 16)

    def flag_block(k, carry):
        rows16 = k * 16 + lane
        fl16 = flagged_v[pl.ds(k * 16, 16)]
        tok16 = plsc.load_gather(tokens_v, [rows16 * L + fl16])
        flag_tok_v[pl.ds(k * 16, 16)] = tok16
        return carry

    lax.fori_loop(0, BPW // 16, flag_block, 0)
    pltpu.async_copy(table_hbm.at[flag_tok_v], flag_rows_v, semf)

    start_row(0, buf0, sem0)

    def outer(i, carry):
        r = 2 * i
        start_row(r + 1, buf1, sem1)
        wait_row(buf0, sem0)
        reduce_row(r, buf0)

        @pl.when(r + 2 < BPW)
        def _():
            start_row(r + 2, buf0, sem0)

        wait_row(buf1, sem1)
        reduce_row(r + 1, buf1)
        return carry

    lax.fori_loop(0, BPW // 2, outer, 0)

    pltpu.make_async_copy(table_hbm.at[flag_tok_v], flag_rows_v, semf).wait()

    def fixup(r, carry):
        o0 = out_v[r, pl.ds(0, 16)]
        o1 = out_v[r, pl.ds(16, 16)]
        f0 = flag_rows_v[r, pl.ds(0, 16)]
        f1 = flag_rows_v[r, pl.ds(16, 16)]
        out_v[r, pl.ds(0, 16)] = (o0 + (UPWEIGHT - 1.0) * f0) * INV_DENOM
        out_v[r, pl.ds(16, 16)] = (o1 + (UPWEIGHT - 1.0) * f1) * INV_DENOM
        return carry

    lax.fori_loop(0, BPW, fixup, 0)

    pltpu.sync_copy(out_v, out_hbm.at[pl.ds(base, BPW)])


def kernel(tokens, flagged_index, table):
    mesh = plsc.VectorSubcoreMesh(core_axis_name="c", subcore_axis_name="s")
    run = pl.kernel(
        _sc_body,
        out_type=jax.ShapeDtypeStruct((B, EMB), jnp.float32),
        mesh=mesh,
        compiler_params=pltpu.CompilerParams(
            needs_layout_passes=False, use_tc_tiling_on_sc=False),
        scratch_types=[
            pltpu.VMEM((BPW * L,), jnp.int32),
            pltpu.VMEM((BPW,), jnp.int32),
            pltpu.VMEM((BPW,), jnp.int32),
            pltpu.VMEM((L, EMB), jnp.float32),
            pltpu.VMEM((L, EMB), jnp.float32),
            pltpu.VMEM((BPW, EMB), jnp.float32),
            pltpu.VMEM((BPW, EMB), jnp.float32),
            pltpu.SemaphoreType.DMA,
            pltpu.SemaphoreType.DMA,
            pltpu.SemaphoreType.DMA,
        ],
    )
    return run(tokens.reshape(-1), flagged_index, table)

# --- scband reference (transcript-rebuilt; emitter-appended) ---
"""Pipeline reference for scband-neural-net-bow-55791625175555 (READ-ONLY COPY).

The authoritative reference and input builder live on the scoring server;
editing this copy changes nothing except your own understanding.
"""

import jax, jax.numpy as jnp
import numpy as np

VOCAB = 1000000
EMB = 32
B = 4096
L = 200
UPWEIGHT = 10.0


def setup_inputs(seed: int = 0) -> dict:
    key = jax.random.key(seed)
    k1, k2, k3 = jax.random.split(key, 3)
    tokens = jax.random.randint(k1, (B, L), 0, VOCAB, dtype=jnp.int32)
    flagged_index = jax.random.randint(k2, (B,), 0, L, dtype=jnp.int32)
    table = jax.random.normal(k3, (VOCAB, EMB), dtype=jnp.float32)
    # nn.Embedding(padding_idx=2): padding row initialized to zeros
    table = table.at[2].set(0.0)
    return {"tokens": tokens, "flagged_index": flagged_index, "table": table}


def reference(tokens, flagged_index, table):
    batch_size, num_tokens = tokens.shape
    # embedding lookup (gather)
    embedding = jnp.take(table, tokens, axis=0)  # [B, L, EMB]
    # upweight the flagged token position in each sequence
    embedding = embedding.at[jnp.arange(batch_size), flagged_index].multiply(UPWEIGHT)
    # averaged bag-of-words embedding
    embedding_ave = embedding.sum(axis=1) / (num_tokens + UPWEIGHT - 1.0)
    return embedding_ave

if __name__ == "__main__":
    import jax
    _d = setup_inputs()
    print(jax.jit(kernel)(*tuple(_d.values())))

</pallas_src>

<mosaic_0001>
#map = affine_map<(d0, d1) -> (0)>
#map1 = affine_map<(d0, d1) -> (0, 0)>
module attributes {stable_mosaic.version = 14 : i64} {
  func.func @_sc_body(%arg0: i32, %arg1: i32, %arg2: memref<819200xi32, #tpu.memory_space<hbm>>, %arg3: memref<4096xi32, #tpu.memory_space<hbm>>, %arg4: memref<1000000x32xf32, #tpu.memory_space<hbm>>, %arg5: memref<4096x32xf32, #tpu.memory_space<hbm>>, %arg6: memref<25600xi32, #tpu.memory_space<vmem>>, %arg7: memref<128xi32, #tpu.memory_space<vmem>>, %arg8: memref<128xi32, #tpu.memory_space<vmem>>, %arg9: memref<200x32xf32, #tpu.memory_space<vmem>>, %arg10: memref<200x32xf32, #tpu.memory_space<vmem>>, %arg11: memref<128x32xf32, #tpu.memory_space<vmem>>, %arg12: memref<128x32xf32, #tpu.memory_space<vmem>>, %arg13: memref<!tpu.dma_semaphore, #tpu.memory_space<semaphore_mem>>, %arg14: memref<!tpu.dma_semaphore, #tpu.memory_space<semaphore_mem>>, %arg15: memref<!tpu.dma_semaphore, #tpu.memory_space<semaphore_mem>>) attributes {dimension_semantics = [#tpu.dimension_semantics<core_parallel>, #tpu.dimension_semantics<subcore_parallel>], iteration_bounds = array<i64: 2, 16>, scalar_prefetch = 0 : i64, scratch_operands = 10 : i64, tpu.core_type = #tpu.core_type<sc_vector_subcore>, window_params = [{transform_indices = #map}, {transform_indices = #map}, {transform_indices = #map1}, {transform_indices = #map1}]} {
    %mul3A = arith.constant 2 : i32
    %mul3A_0 = arith.muli %arg1, %mul3A : i32
    %add3A = arith.addi %mul3A_0, %arg0 : i32
    %mul3A_1 = arith.constant 128 : i32
    %mul3A_2 = arith.muli %add3A, %mul3A_1 : i32
    %mul3A_3 = arith.constant 200 : i32
    %mul3A_4 = arith.muli %mul3A_2, %mul3A_3 : i32
    "tpu.region"() ({
      %run_scoped3A = tpu.sem_alloc : memref<!tpu.dma_semaphore, #tpu.memory_space<semaphore_mem>>
      %dma_start3A_42 = tpu.memref_slice %arg2[%mul3A_4] : memref<819200xi32, #tpu.memory_space<hbm>> -> memref<25600xi32, #tpu.memory_space<hbm>>
      %dma_start3A_43 = tpu.memref_slice %arg2[%mul3A_4] : memref<819200xi32, #tpu.memory_space<hbm>> -> memref<25600xi32, #tpu.memory_space<hbm>>
      tpu.enqueue_dma source(%dma_start3A_43 : memref<25600xi32, #tpu.memory_space<hbm>>) target(%arg6 : memref<25600xi32, #tpu.memory_space<vmem>>) target_semaphore(%run_scoped3A : memref<!tpu.dma_semaphore, #tpu.memory_space<semaphore_mem>>)
      %dma_wait3A_44 = tpu.memref_slice %arg2[%mul3A_4] : memref<819200xi32, #tpu.memory_space<hbm>> -> memref<25600xi32, #tpu.memory_space<hbm>>
      %dma_wait3A_45 = tpu.memref_slice %arg2[%mul3A_4] : memref<819200xi32, #tpu.memory_space<hbm>> -> memref<25600xi32, #tpu.memory_space<hbm>>
      tpu.wait_dma2 semaphore(%run_scoped3A : memref<!tpu.dma_semaphore, #tpu.memory_space<semaphore_mem>>) src(%dma_wait3A_45 : memref<25600xi32, #tpu.memory_space<hbm>>) dst(%arg6 : memref<25600xi32, #tpu.memory_space<vmem>>)
      tpu.yield
    }) : () -> ()
    "tpu.region"() ({
      %run_scoped3A = tpu.sem_alloc : memref<!tpu.dma_semaphore, #tpu.memory_space<semaphore_mem>>
      %dma_start3A_42 = tpu.memref_slice %arg3[%mul3A_2] : memref<4096xi32, #tpu.memory_space<hbm>> -> memref<128xi32, #tpu.memory_space<hbm>>
      %dma_start3A_43 = tpu.memref_slice %arg3[%mul3A_2] : memref<4096xi32, #tpu.memory_space<hbm>> -> memref<128xi32, #tpu.memory_space<hbm>>
      tpu.enqueue_dma source(%dma_start3A_43 : memref<128xi32, #tpu.memory_space<hbm>>) target(%arg7 : memref<128xi32, #tpu.memory_space<vmem>>) target_semaphore(%run_scoped3A : memref<!tpu.dma_semaphore, #tpu.memory_space<semaphore_mem>>)
      %dma_wait3A_44 = tpu.memref_slice %arg3[%mul3A_2] : memref<4096xi32, #tpu.memory_space<hbm>> -> memref<128xi32, #tpu.memory_space<hbm>>
      %dma_wait3A_45 = tpu.memref_slice %arg3[%mul3A_2] : memref<4096xi32, #tpu.memory_space<hbm>> -> memref<128xi32, #tpu.memory_space<hbm>>
      tpu.wait_dma2 semaphore(%run_scoped3A : memref<!tpu.dma_semaphore, #tpu.memory_space<semaphore_mem>>) src(%dma_wait3A_45 : memref<128xi32, #tpu.memory_space<hbm>>) dst(%arg7 : memref<128xi32, #tpu.memory_space<vmem>>)
      tpu.yield
    }) : () -> ()
    %iota3A = tpu.iota {dimensions = array<i32: 0>} : vector<16xi32>
    %scan3A = arith.constant 0 : i32
    %scan3A_5 = arith.constant 0 : i32
    %scan3A_6 = arith.constant 8 : i32
    %scan3A_7 = arith.addi %scan3A_5, %scan3A_6 : i32
    %scan3A_8 = arith.constant 1 : i32
    scf.for %scan3A_42 = %scan3A_5 to %scan3A_7 step %scan3A_8  : i32 {
      %mul3A_43 = arith.constant 16 : i32
      %mul3A_44 = arith.muli %scan3A_42, %mul3A_43 : i32
      %add3A_45 = vector.broadcast %mul3A_44 : i32 to vector<16xi32>
      %add3A_46 = arith.addi %add3A_45, %iota3A : vector<16xi32>
      %mul3A_47 = arith.constant 16 : i32
      %mul3A_48 = arith.muli %scan3A_42, %mul3A_47 : i32
      %get3A = arith.index_cast %mul3A_48 : i32 to index
      %get3A_49 = tpu.vector_load %arg7[%get3A] {strides = array<i32>} : memref<128xi32, #tpu.memory_space<vmem>>, vector<16xi32>,
      %mul3A_50 = arith.constant 200 : i32
      %mul3A_51 = vector.broadcast %mul3A_50 : i32 to vector<16xi32>
      %mul3A_52 = arith.muli %add3A_46, %mul3A_51 : vector<16xi32>
      %add3A_53 = arith.addi %mul3A_52, %get3A_49 : vector<16xi32>
      %gather3A = tpu.vector_load_idx %arg6[%add3A_53] : memref<25600xi32, #tpu.memory_space<vmem>>[vector<16xi32>], vector<16xi32>,
      %mul3A_54 = arith.constant 16 : i32
      %mul3A_55 = arith.muli %scan3A_42, %mul3A_54 : i32
      %swap3A = arith.index_cast %mul3A_55 : i32 to index
      %swap3A_56 = tpu.vector_load %arg8[%swap3A] {strides = array<i32>} : memref<128xi32, #tpu.memory_space<vmem>>, vector<16xi32>,
      tpu.vector_store %arg8[%swap3A], %gather3A {strides = array<i32>} : memref<128xi32, #tpu.memory_space<vmem>>, vector<16xi32>,
    }
    %scan3A_9 = arith.constant 8 : i32
    %dma_start3A = arith.constant 0 : i32
    %dma_start3A_10 = arith.constant 0 : i32
    %dma_start3A_11 = tpu.memref_slice %arg4[%dma_start3A, %dma_start3A_10] : memref<1000000x32xf32, #tpu.memory_space<hbm>> -> memref<1000000x32xf32, #tpu.memory_space<hbm>>
    tpu.enqueue_indirect_dma source(%dma_start3A_11 : memref<1000000x32xf32, #tpu.memory_space<hbm>>) target(%arg12 : memref<128x32xf32, #tpu.memory_space<vmem>>) offsets(%arg8 : memref<128xi32, #tpu.memory_space<vmem>>) semaphore(%arg15 : memref<!tpu.dma_semaphore, #tpu.memory_space<semaphore_mem>>)
    %dma_start3A_12 = arith.constant 0 : i32
    %dma_start3A_13 = arith.constant 0 : i32
    %dma_start3A_14 = tpu.memref_slice %arg9[%dma_start3A_12, %dma_start3A_13] : memref<200x32xf32, #tpu.memory_space<vmem>> -> memref<128x32xf32, #tpu.memory_space<vmem>>
    %dma_start3A_15 = arith.constant 0 : i32
    %dma_start3A_16 = tpu.memref_slice %arg6[%dma_start3A_15] : memref<25600xi32, #tpu.memory_space<vmem>> -> memref<128xi32, #tpu.memory_space<vmem>>
    %dma_start3A_17 = arith.constant 0 : i32
    %dma_start3A_18 = arith.constant 0 : i32
    %dma_start3A_19 = tpu.memref_slice %arg4[%dma_start3A_17, %dma_start3A_18] : memref<1000000x32xf32, #tpu.memory_space<hbm>> -> memref<1000000x32xf32, #tpu.memory_space<hbm>>
    tpu.enqueue_indirect_dma source(%dma_start3A_19 : memref<1000000x32xf32, #tpu.memory_space<hbm>>) target(%dma_start3A_14 : memref<128x32xf32, #tpu.memory_space<vmem>>) offsets(%dma_start3A_16 : memref<128xi32, #tpu.memory_space<vmem>>) semaphore(%arg13 : memref<!tpu.dma_semaphore, #tpu.memory_space<semaphore_mem>>)
    %dma_start3A_20 = arith.constant 128 : i32
    %dma_start3A_21 = arith.constant 0 : i32
    %dma_start3A_22 = tpu.memref_slice %arg9[%dma_start3A_20, %dma_start3A_21] : memref<200x32xf32, #tpu.memory_space<vmem>> -> memref<72x32xf32, #tpu.memory_space<vmem>>
    %dma_start3A_23 = arith.constant 128 : i32
    %dma_start3A_24 = tpu.memref_slice %arg6[%dma_start3A_23] : memref<25600xi32, #tpu.memory_space<vmem>> -> memref<72xi32, #tpu.memory_space<vmem>>
    %dma_start3A_25 = arith.constant 0 : i32
    %dma_start3A_26 = arith.constant 0 : i32
    %dma_start3A_27 = tpu.memref_slice %arg4[%dma_start3A_25, %dma_start3A_26] : memref<1000000x32xf32, #tpu.memory_space<hbm>> -> memref<1000000x32xf32, #tpu.memory_space<hbm>>
    tpu.enqueue_indirect_dma source(%dma_start3A_27 : memref<1000000x32xf32, #tpu.memory_space<hbm>>) target(%dma_start3A_22 : memref<72x32xf32, #tpu.memory_space<vmem>>) offsets(%dma_start3A_24 : memref<72xi32, #tpu.memory_space<vmem>>) semaphore(%arg13 : memref<!tpu.dma_semaphore, #tpu.memory_space<semaphore_mem>>)
    %scan3A_28 = arith.constant 0 : i32
    %scan3A_29 = arith.constant 0 : i32
    %scan3A_30 = arith.constant 64 : i32
    %scan3A_31 = arith.addi %scan3A_29, %scan3A_30 : i32
    %scan3A_32 = arith.constant 1 : i32
    scf.for %scan3A_42 = %scan3A_29 to %scan3A_31 step %scan3A_32  : i32 {
      %mul3A_43 = arith.constant 2 : i32
      %mul3A_44 = arith.muli %mul3A_43, %scan3A_42 : i32
      %add3A_45 = arith.constant 1 : i32
      %add3A_46 = arith.addi %mul3A_44, %add3A_45 : i32
      %mul3A_47 = arith.constant 200 : i32
      %mul3A_48 = arith.muli %add3A_46, %mul3A_47 : i32
      %dma_start3A_49 = arith.constant 0 : i32
      %dma_start3A_50 = arith.constant 0 : i32
      %dma_start3A_51 = tpu.memref_slice %arg10[%dma_start3A_49, %dma_start3A_50] : memref<200x32xf32, #tpu.memory_space<vmem>> -> memref<128x32xf32, #tpu.memory_space<vmem>>
      %dma_start3A_52 = tpu.memref_slice %arg6[%mul3A_48] : memref<25600xi32, #tpu.memory_space<vmem>> -> memref<128xi32, #tpu.memory_space<vmem>>
      %dma_start3A_53 = arith.constant 0 : i32
      %dma_start3A_54 = arith.constant 0 : i32
      %dma_start3A_55 = tpu.memref_slice %arg4[%dma_start3A_53, %dma_start3A_54] : memref<1000000x32xf32, #tpu.memory_space<hbm>> -> memref<1000000x32xf32, #tpu.memory_space<hbm>>
      tpu.enqueue_indirect_dma source(%dma_start3A_55 : memref<1000000x32xf32, #tpu.memory_space<hbm>>) target(%dma_start3A_51 : memref<128x32xf32, #tpu.memory_space<vmem>>) offsets(%dma_start3A_52 : memref<128xi32, #tpu.memory_space<vmem>>) semaphore(%arg14 : memref<!tpu.dma_semaphore, #tpu.memory_space<semaphore_mem>>)
      %mul3A_56 = arith.constant 200 : i32
      %mul3A_57 = arith.muli %add3A_46, %mul3A_56 : i32
      %add3A_58 = arith.constant 128 : i32
      %add3A_59 = arith.addi %mul3A_57, %add3A_58 : i32
      %dma_start3A_60 = arith.constant 128 : i32
      %dma_start3A_61 = arith.constant 0 : i32
      %dma_start3A_62 = tpu.memref_slice %arg10[%dma_start3A_60, %dma_start3A_61] : memref<200x32xf32, #tpu.memory_space<vmem>> -> memref<72x32xf32, #tpu.memory_space<vmem>>
      %dma_start3A_63 = tpu.memref_slice %arg6[%add3A_59] : memref<25600xi32, #tpu.memory_space<vmem>> -> memref<72xi32, #tpu.memory_space<vmem>>
      %dma_start3A_64 = arith.constant 0 : i32
      %dma_start3A_65 = arith.constant 0 : i32
      %dma_start3A_66 = tpu.memref_slice %arg4[%dma_start3A_64, %dma_start3A_65] : memref<1000000x32xf32, #tpu.memory_space<hbm>> -> memref<1000000x32xf32, #tpu.memory_space<hbm>>
      tpu.enqueue_indirect_dma source(%dma_start3A_66 : memref<1000000x32xf32, #tpu.memory_space<hbm>>) target(%dma_start3A_62 : memref<72x32xf32, #tpu.memory_space<vmem>>) offsets(%dma_start3A_63 : memref<72xi32, #tpu.memory_space<vmem>>) semaphore(%arg14 : memref<!tpu.dma_semaphore, #tpu.memory_space<semaphore_mem>>)
      %dma_wait3A_67 = arith.constant 0 : i32
      %dma_wait3A_68 = arith.constant 0 : i32
      %dma_wait3A_69 = tpu.memref_slice %arg9[%dma_wait3A_67, %dma_wait3A_68] : memref<200x32xf32, #tpu.memory_space<vmem>> -> memref<128x32xf32, #tpu.memory_space<vmem>>
      %dma_wait3A_70 = arith.constant 0 : i32
      %dma_wait3A_71 = tpu.memref_slice %arg6[%dma_wait3A_70] : memref<25600xi32, #tpu.memory_space<vmem>> -> memref<128xi32, #tpu.memory_space<vmem>>
      %dma_wait3A_72 = arith.constant 0 : i32
      %dma_wait3A_73 = arith.constant 0 : i32
      %dma_wait3A_74 = tpu.memref_slice %arg4[%dma_wait3A_72, %dma_wait3A_73] : memref<1000000x32xf32, #tpu.memory_space<hbm>> -> memref<1000000x32xf32, #tpu.memory_space<hbm>>
      tpu.wait_indirect_dma semaphore(%arg13 : memref<!tpu.dma_semaphore, #tpu.memory_space<semaphore_mem>>) src(%dma_wait3A_74 : memref<1000000x32xf32, #tpu.memory_space<hbm>>) dst(%dma_wait3A_69 : memref<128x32xf32, #tpu.memory_space<vmem>>)
      %dma_wait3A_75 = arith.constant 128 : i32
      %dma_wait3A_76 = arith.constant 0 : i32
      %dma_wait3A_77 = tpu.memref_slice %arg9[%dma_wait3A_75, %dma_wait3A_76] : memref<200x32xf32, #tpu.memory_space<vmem>> -> memref<72x32xf32, #tpu.memory_space<vmem>>
      %dma_wait3A_78 = arith.constant 128 : i32
      %dma_wait3A_79 = tpu.memref_slice %arg6[%dma_wait3A_78] : memref<25600xi32, #tpu.memory_space<vmem>> -> memref<72xi32, #tpu.memory_space<vmem>>
      %dma_wait3A_80 = arith.constant 0 : i32
      %dma_wait3A_81 = arith.constant 0 : i32
      %dma_wait3A_82 = tpu.memref_slice %arg4[%dma_wait3A_80, %dma_wait3A_81] : memref<1000000x32xf32, #tpu.memory_space<hbm>> -> memref<1000000x32xf32, #tpu.memory_space<hbm>>
      tpu.wait_indirect_dma semaphore(%arg13 : memref<!tpu.dma_semaphore, #tpu.memory_space<semaphore_mem>>) src(%dma_wait3A_82 : memref<1000000x32xf32, #tpu.memory_space<hbm>>) dst(%dma_wait3A_77 : memref<72x32xf32, #tpu.memory_space<vmem>>)
      %broadcast_in_dim3A = arith.constant 0.000000e+00 : f32
      %broadcast_in_dim3A_83 = vector.broadcast %broadcast_in_dim3A : f32 to vector<16xf32>
      %scan3A_84 = arith.constant 0 : i32
      %scan3A_85 = arith.constant 200 : i32
      %scan3A_86 = arith.addi %scan3A_84, %scan3A_85 : i32
      %scan3A_87 = arith.constant 8 : i32
      %scan3A_88:2 = scf.for %scan3A_131 = %scan3A_84 to %scan3A_86 step %scan3A_87 iter_args(%scan3A_132 = %broadcast_in_dim3A_83, %scan3A_133 = %broadcast_in_dim3A_83) -> (vector<16xf32>, vector<16xf32>)  : i32 {
        %get3A = arith.index_cast %scan3A_131 : i32 to index
        %get3A_134 = arith.constant 0 : index
        %get3A_135 = tpu.vector_load %arg9[%get3A, %get3A_134] {strides = array<i32>} : memref<200x32xf32, #tpu.memory_space<vmem>>, vector<16xf32>,
        %add3A_136 = arith.addf %scan3A_132, %get3A_135 : vector<16xf32>
        %get3A_137 = arith.index_cast %scan3A_131 : i32 to index
        %get3A_138 = arith.constant 16 : index
        %get3A_139 = tpu.vector_load %arg9[%get3A_137, %get3A_138] {strides = array<i32>} : memref<200x32xf32, #tpu.memory_space<vmem>>, vector<16xf32>,
        %add3A_140 = arith.addf %scan3A_133, %get3A_139 : vector<16xf32>
        %scan3A_141 = arith.constant 1 : i32
        %scan3A_142 = arith.addi %scan3A_131, %scan3A_141 : i32
        %get3A_143 = arith.index_cast %scan3A_142 : i32 to index
        %get3A_144 = arith.constant 0 : index
        %get3A_145 = tpu.vector_load %arg9[%get3A_143, %get3A_144] {strides = array<i32>} : memref<200x32xf32, #tpu.memory_space<vmem>>, vector<16xf32>,
        %add3A_146 = arith.addf %add3A_136, %get3A_145 : vector<16xf32>
        %get3A_147 = arith.index_cast %scan3A_142 : i32 to index
        %get3A_148 = arith.constant 16 : index
        %get3A_149 = tpu.vector_load %arg9[%get3A_147, %get3A_148] {strides = array<i32>} : memref<200x32xf32, #tpu.memory_space<vmem>>, vector<16xf32>,
        %add3A_150 = arith.addf %add3A_140, %get3A_149 : vector<16xf32>
        %scan3A_151 = arith.constant 2 : i32
        %scan3A_152 = arith.addi %scan3A_131, %scan3A_151 : i32
        %get3A_153 = arith.index_cast %scan3A_152 : i32 to index
        %get3A_154 = arith.constant 0 : index
        %get3A_155 = tpu.vector_load %arg9[%get3A_153, %get3A_154] {strides = array<i32>} : memref<200x32xf32, #tpu.memory_space<vmem>>, vector<16xf32>,
        %add3A_156 = arith.addf %add3A_146, %get3A_155 : vector<16xf32>
        %get3A_157 = arith.index_cast %scan3A_152 : i32 to index
        %get3A_158 = arith.constant 16 : index
        %get3A_159 = tpu.vector_load %arg9[%get3A_157, %get3A_158] {strides = array<i32>} : memref<200x32xf32, #tpu.memory_space<vmem>>, vector<16xf32>,
        %add3A_160 = arith.addf %add3A_150, %get3A_159 : vector<16xf32>
        %scan3A_161 = arith.constant 3 : i32
        %scan3A_162 = arith.addi %scan3A_131, %scan3A_161 : i32
        %get3A_163 = arith.index_cast %scan3A_162 : i32 to index
        %get3A_164 = arith.constant 0 : index
        %get3A_165 = tpu.vector_load %arg9[%get3A_163, %get3A_164] {strides = array<i32>} : memref<200x32xf32, #tpu.memory_space<vmem>>, vector<16xf32>,
        %add3A_166 = arith.addf %add3A_156, %get3A_165 : vector<16xf32>
        %get3A_167 = arith.index_cast %scan3A_162 : i32 to index
        %get3A_168 = arith.constant 16 : index
        %get3A_169 = tpu.vector_load %arg9[%get3A_167, %get3A_168] {strides = array<i32>} : memref<200x32xf32, #tpu.memory_space<vmem>>, vector<16xf32>,
        %add3A_170 = arith.addf %add3A_160, %get3A_169 : vector<16xf32>
        %scan3A_171 = arith.constant 4 : i32
        %scan3A_172 = arith.addi %scan3A_131, %scan3A_171 : i32
        %get3A_173 = arith.index_cast %scan3A_172 : i32 to index
        %get3A_174 = arith.constant 0 : index
        %get3A_175 = tpu.vector_load %arg9[%get3A_173, %get3A_174] {strides = array<i32>} : memref<200x32xf32, #tpu.memory_space<vmem>>, vector<16xf32>,
        %add3A_176 = arith.addf %add3A_166, %get3A_175 : vector<16xf32>
        %get3A_177 = arith.index_cast %scan3A_172 : i32 to index
        %get3A_178 = arith.constant 16 : index
        %get3A_179 = tpu.vector_load %arg9[%get3A_177, %get3A_178] {strides = array<i32>} : memref<200x32xf32, #tpu.memory_space<vmem>>, vector<16xf32>,
        %add3A_180 = arith.addf %add3A_170, %get3A_179 : vector<16xf32>
        %scan3A_181 = arith.constant 5 : i32
        %scan3A_182 = arith.addi %scan3A_131, %scan3A_181 : i32
        %get3A_183 = arith.index_cast %scan3A_182 : i32 to index
        %get3A_184 = arith.constant 0 : index
        %get3A_185 = tpu.vector_load %arg9[%get3A_183, %get3A_184] {strides = array<i32>} : memref<200x32xf32, #tpu.memory_space<vmem>>, vector<16xf32>,
        %add3A_186 = arith.addf %add3A_176, %get3A_185 : vector<16xf32>
        %get3A_187 = arith.index_cast %scan3A_182 : i32 to index
        %get3A_188 = arith.constant 16 : index
        %get3A_189 = tpu.vector_load %arg9[%get3A_187, %get3A_188] {strides = array<i32>} : memref<200x32xf32, #tpu.memory_space<vmem>>, vector<16xf32>,
        %add3A_190 = arith.addf %add3A_180, %get3A_189 : vector<16xf32>
        %scan3A_191 = arith.constant 6 : i32
        %scan3A_192 = arith.addi %scan3A_131, %scan3A_191 : i32
        %get3A_193 = arith.index_cast %scan3A_192 : i32 to index
        %get3A_194 = arith.constant 0 : index
        %get3A_195 = tpu.vector_load %arg9[%get3A_193, %get3A_194] {strides = array<i32>} : memref<200x32xf32, #tpu.memory_space<vmem>>, vector<16xf32>,
        %add3A_196 = arith.addf %add3A_186, %get3A_195 : vector<16xf32>
        %get3A_197 = arith.index_cast %scan3A_192 : i32 to index
        %get3A_198 = arith.constant 16 : index
        %get3A_199 = tpu.vector_load %arg9[%get3A_197, %get3A_198] {strides = array<i32>} : memref<200x32xf32, #tpu.memory_space<vmem>>, vector<16xf32>,
        %add3A_200 = arith.addf %add3A_190, %get3A_199 : vector<16xf32>
        %scan3A_201 = arith.constant 7 : i32
        %scan3A_202 = arith.addi %scan3A_131, %scan3A_201 : i32
        %get3A_203 = arith.index_cast %scan3A_202 : i32 to index
        %get3A_204 = arith.constant 0 : index
        %get3A_205 = tpu.vector_load %arg9[%get3A_203, %get3A_204] {strides = array<i32>} : memref<200x32xf32, #tpu.memory_space<vmem>>, vector<16xf32>,
        %add3A_206 = arith.addf %add3A_196, %get3A_205 : vector<16xf32>
        %get3A_207 = arith.index_cast %scan3A_202 : i32 to index
        %get3A_208 = arith.constant 16 : index
        %get3A_209 = tpu.vector_load %arg9[%get3A_207, %get3A_208] {strides = array<i32>} : memref<200x32xf32, #tpu.memory_space<vmem>>, vector<16xf32>,
        %add3A_210 = arith.addf %add3A_200, %get3A_209 : vector<16xf32>
        scf.yield %add3A_206, %add3A_210 : vector<16xf32>, vector<16xf32>
      }
      %scan3A_89 = arith.constant 200 : i32
      %swap3A = arith.index_cast %mul3A_44 : i32 to index
      %swap3A_90 = arith.constant 0 : index
      %swap3A_91 = tpu.vector_load %arg11[%swap3A, %swap3A_90] {strides = array<i32>} : memref<128x32xf32, #tpu.memory_space<vmem>>, vector<16xf32>,
      tpu.vector_store %arg11[%swap3A, %swap3A_90], %scan3A_88#0 {strides = array<i32>} : memref<128x32xf32, #tpu.memory_space<vmem>>, vector<16xf32>,
      %swap3A_92 = arith.index_cast %mul3A_44 : i32 to index
      %swap3A_93 = arith.constant 16 : index
      %swap3A_94 = tpu.vector_load %arg11[%swap3A_92, %swap3A_93] {strides = array<i32>} : memref<128x32xf32, #tpu.memory_space<vmem>>, vector<16xf32>,
      tpu.vector_store %arg11[%swap3A_92, %swap3A_93], %scan3A_88#1 {strides = array<i32>} : memref<128x32xf32, #tpu.memory_space<vmem>>, vector<16xf32>,
      %add3A_95 = arith.constant 2 : i32
      %add3A_96 = arith.addi %mul3A_44, %add3A_95 : i32
      %lt3A = arith.constant 128 : i32
      %lt3A_97 = arith.cmpi slt, %add3A_96, %lt3A : i32
      %convert_element_type3A = arith.extui %lt3A_97 : i1 to i32
      %cond3A = arith.constant 0 : i32
      %cond3A_98 = arith.cmpi ne, %convert_element_type3A, %cond3A : i32
      scf.if %cond3A_98 {
        %add3A_131 = arith.constant 2 : i32
        %add3A_132 = arith.addi %mul3A_44, %add3A_131 : i32
        %mul3A_133 = arith.constant 200 : i32
        %mul3A_134 = arith.muli %add3A_132, %mul3A_133 : i32
        %dma_start3A_135 = arith.constant 0 : i32
        %dma_start3A_136 = arith.constant 0 : i32
        %dma_start3A_137 = tpu.memref_slice %arg9[%dma_start3A_135, %dma_start3A_136] : memref<200x32xf32, #tpu.memory_space<vmem>> -> memref<128x32xf32, #tpu.memory_space<vmem>>
        %dma_start3A_138 = tpu.memref_slice %arg6[%mul3A_134] : memref<25600xi32, #tpu.memory_space<vmem>> -> memref<128xi32, #tpu.memory_space<vmem>>
        %dma_start3A_139 = arith.constant 0 : i32
        %dma_start3A_140 = arith.constant 0 : i32
        %dma_start3A_141 = tpu.memref_slice %arg4[%dma_start3A_139, %dma_start3A_140] : memref<1000000x32xf32, #tpu.memory_space<hbm>> -> memref<1000000x32xf32, #tpu.memory_space<hbm>>
        tpu.enqueue_indirect_dma source(%dma_start3A_141 : memref<1000000x32xf32, #tpu.memory_space<hbm>>) target(%dma_start3A_137 : memref<128x32xf32, #tpu.memory_space<vmem>>) offsets(%dma_start3A_138 : memref<128xi32, #tpu.memory_space<vmem>>) semaphore(%arg13 : memref<!tpu.dma_semaphore, #tpu.memory_space<semaphore_mem>>)
        %mul3A_142 = arith.constant 200 : i32
        %mul3A_143 = arith.muli %add3A_132, %mul3A_142 : i32
        %add3A_144 = arith.constant 128 : i32
        %add3A_145 = arith.addi %mul3A_143, %add3A_144 : i32
        %dma_start3A_146 = arith.constant 128 : i32
        %dma_start3A_147 = arith.constant 0 : i32
        %dma_start3A_148 = tpu.memref_slice %arg9[%dma_start3A_146, %dma_start3A_147] : memref<200x32xf32, #tpu.memory_space<vmem>> -> memref<72x32xf32, #tpu.memory_space<vmem>>
        %dma_start3A_149 = tpu.memref_slice %arg6[%add3A_145] : memref<25600xi32, #tpu.memory_space<vmem>> -> memref<72xi32, #tpu.memory_space<vmem>>
        %dma_start3A_150 = arith.constant 0 : i32
        %dma_start3A_151 = arith.constant 0 : i32
        %dma_start3A_152 = tpu.memref_slice %arg4[%dma_start3A_150, %dma_start3A_151] : memref<1000000x32xf32, #tpu.memory_space<hbm>> -> memref<1000000x32xf32, #tpu.memory_space<hbm>>
        tpu.enqueue_indirect_dma source(%dma_start3A_152 : memref<1000000x32xf32, #tpu.memory_space<hbm>>) target(%dma_start3A_148 : memref<72x32xf32, #tpu.memory_space<vmem>>) offsets(%dma_start3A_149 : memref<72xi32, #tpu.memory_space<vmem>>) semaphore(%arg13 : memref<!tpu.dma_semaphore, #tpu.memory_space<semaphore_mem>>)
      } else {
      }
      %dma_wait3A_99 = arith.constant 0 : i32
      %dma_wait3A_100 = arith.constant 0 : i32
      %dma_wait3A_101 = tpu.memref_slice %arg10[%dma_wait3A_99, %dma_wait3A_100] : memref<200x32xf32, #tpu.memory_space<vmem>> -> memref<128x32xf32, #tpu.memory_space<vmem>>
      %dma_wait3A_102 = arith.constant 0 : i32
      %dma_wait3A_103 = tpu.memref_slice %arg6[%dma_wait3A_102] : memref<25600xi32, #tpu.memory_space<vmem>> -> memref<128xi32, #tpu.memory_space<vmem>>
      %dma_wait3A_104 = arith.constant 0 : i32
      %dma_wait3A_105 = arith.constant 0 : i32
      %dma_wait3A_106 = tpu.memref_slice %arg4[%dma_wait3A_104, %dma_wait3A_105] : memref<1000000x32xf32, #tpu.memory_space<hbm>> -> memref<1000000x32xf32, #tpu.memory_space<hbm>>
      tpu.wait_indirect_dma semaphore(%arg14 : memref<!tpu.dma_semaphore, #tpu.memory_space<semaphore_mem>>) src(%dma_wait3A_106 : memref<1000000x32xf32, #tpu.memory_space<hbm>>) dst(%dma_wait3A_101 : memref<128x32xf32, #tpu.memory_space<vmem>>)
      %dma_wait3A_107 = arith.constant 128 : i32
      %dma_wait3A_108 = arith.constant 0 : i32
      %dma_wait3A_109 = tpu.memref_slice %arg10[%dma_wait3A_107, %dma_wait3A_108] : memref<200x32xf32, #tpu.memory_space<vmem>> -> memref<72x32xf32, #tpu.memory_space<vmem>>
      %dma_wait3A_110 = arith.constant 128 : i32
      %dma_wait3A_111 = tpu.memref_slice %arg6[%dma_wait3A_110] : memref<25600xi32, #tpu.memory_space<vmem>> -> memref<72xi32, #tpu.memory_space<vmem>>
      %dma_wait3A_112 = arith.constant 0 : i32
      %dma_wait3A_113 = arith.constant 0 : i32
      %dma_wait3A_114 = tpu.memref_slice %arg4[%dma_wait3A_112, %dma_wait3A_113] : memref<1000000x32xf32, #tpu.memory_space<hbm>> -> memref<1000000x32xf32, #tpu.memory_space<hbm>>
      tpu.wait_indirect_dma semaphore(%arg14 : memref<!tpu.dma_semaphore, #tpu.memory_space<semaphore_mem>>) src(%dma_wait3A_114 : memref<1000000x32xf32, #tpu.memory_space<hbm>>) dst(%dma_wait3A_109 : memref<72x32xf32, #tpu.memory_space<vmem>>)
      %add3A_115 = arith.constant 1 : i32
      %add3A_116 = arith.addi %mul3A_44, %add3A_115 : i32
      %broadcast_in_dim3A_117 = arith.constant 0.000000e+00 : f32
      %broadcast_in_dim3A_118 = vector.broadcast %broadcast_in_dim3A_117 : f32 to vector<16xf32>
      %scan3A_119 = arith.constant 0 : i32
      %scan3A_120 = arith.constant 200 : i32
      %scan3A_121 = arith.addi %scan3A_119, %scan3A_120 : i32
      %scan3A_122 = arith.constant 8 : i32
      %scan3A_123:2 = scf.for %scan3A_131 = %scan3A_119 to %scan3A_121 step %scan3A_122 iter_args(%scan3A_132 = %broadcast_in_dim3A_118, %scan3A_133 = %broadcast_in_dim3A_118) -> (vector<16xf32>, vector<16xf32>)  : i32 {
        %get3A = arith.index_cast %scan3A_131 : i32 to index
        %get3A_134 = arith.constant 0 : index
        %get3A_135 = tpu.vector_load %arg10[%get3A, %get3A_134] {strides = array<i32>} : memref<200x32xf32, #tpu.memory_space<vmem>>, vector<16xf32>,
        %add3A_136 = arith.addf %scan3A_132, %get3A_135 : vector<16xf32>
        %get3A_137 = arith.index_cast %scan3A_131 : i32 to index
        %get3A_138 = arith.constant 16 : index
        %get3A_139 = tpu.vector_load %arg10[%get3A_137, %get3A_138] {strides = array<i32>} : memref<200x32xf32, #tpu.memory_space<vmem>>, vector<16xf32>,
        %add3A_140 = arith.addf %scan3A_133, %get3A_139 : vector<16xf32>
        %scan3A_141 = arith.constant 1 : i32
        %scan3A_142 = arith.addi %scan3A_131, %scan3A_141 : i32
        %get3A_143 = arith.index_cast %scan3A_142 : i32 to index
        %get3A_144 = arith.constant 0 : index
        %get3A_145 = tpu.vector_load %arg10[%get3A_143, %get3A_144] {strides = array<i32>} : memref<200x32xf32, #tpu.memory_space<vmem>>, vector<16xf32>,
        %add3A_146 = arith.addf %add3A_136, %get3A_145 : vector<16xf32>
        %get3A_147 = arith.index_cast %scan3A_142 : i32 to index
        %get3A_148 = arith.constant 16 : index
        %get3A_149 = tpu.vector_load %arg10[%get3A_147, %get3A_148] {strides = array<i32>} : memref<200x32xf32, #tpu.memory_space<vmem>>, vector<16xf32>,
        %add3A_150 = arith.addf %add3A_140, %get3A_149 : vector<16xf32>
        %scan3A_151 = arith.constant 2 : i32
        %scan3A_152 = arith.addi %scan3A_131, %scan3A_151 : i32
        %get3A_153 = arith.index_cast %scan3A_152 : i32 to index
        %get3A_154 = arith.constant 0 : index
        %get3A_155 = tpu.vector_load %arg10[%get3A_153, %get3A_154] {strides = array<i32>} : memref<200x32xf32, #tpu.memory_space<vmem>>, vector<16xf32>,
        %add3A_156 = arith.addf %add3A_146, %get3A_155 : vector<16xf32>
        %get3A_157 = arith.index_cast %scan3A_152 : i32 to index
        %get3A_158 = arith.constant 16 : index
        %get3A_159 = tpu.vector_load %arg10[%get3A_157, %get3A_158] {strides = array<i32>} : memref<200x32xf32, #tpu.memory_space<vmem>>, vector<16xf32>,
        %add3A_160 = arith.addf %add3A_150, %get3A_159 : vector<16xf32>
        %scan3A_161 = arith.constant 3 : i32
        %scan3A_162 = arith.addi %scan3A_131, %scan3A_161 : i32
        %get3A_163 = arith.index_cast %scan3A_162 : i32 to index
        %get3A_164 = arith.constant 0 : index
        %get3A_165 = tpu.vector_load %arg10[%get3A_163, %get3A_164] {strides = array<i32>} : memref<200x32xf32, #tpu.memory_space<vmem>>, vector<16xf32>,
        %add3A_166 = arith.addf %add3A_156, %get3A_165 : vector<16xf32>
        %get3A_167 = arith.index_cast %scan3A_162 : i32 to index
        %get3A_168 = arith.constant 16 : index
        %get3A_169 = tpu.vector_load %arg10[%get3A_167, %get3A_168] {strides = array<i32>} : memref<200x32xf32, #tpu.memory_space<vmem>>, vector<16xf32>,
        %add3A_170 = arith.addf %add3A_160, %get3A_169 : vector<16xf32>
        %scan3A_171 = arith.constant 4 : i32
        %scan3A_172 = arith.addi %scan3A_131, %scan3A_171 : i32
        %get3A_173 = arith.index_cast %scan3A_172 : i32 to index
        %get3A_174 = arith.constant 0 : index
        %get3A_175 = tpu.vector_load %arg10[%get3A_173, %get3A_174] {strides = array<i32>} : memref<200x32xf32, #tpu.memory_space<vmem>>, vector<16xf32>,
        %add3A_176 = arith.addf %add3A_166, %get3A_175 : vector<16xf32>
        %get3A_177 = arith.index_cast %scan3A_172 : i32 to index
        %get3A_178 = arith.constant 16 : index
        %get3A_179 = tpu.vector_load %arg10[%get3A_177, %get3A_178] {strides = array<i32>} : memref<200x32xf32, #tpu.memory_space<vmem>>, vector<16xf32>,
        %add3A_180 = arith.addf %add3A_170, %get3A_179 : vector<16xf32>
        %scan3A_181 = arith.constant 5 : i32
        %scan3A_182 = arith.addi %scan3A_131, %scan3A_181 : i32
        %get3A_183 = arith.index_cast %scan3A_182 : i32 to index
        %get3A_184 = arith.constant 0 : index
        %get3A_185 = tpu.vector_load %arg10[%get3A_183, %get3A_184] {strides = array<i32>} : memref<200x32xf32, #tpu.memory_space<vmem>>, vector<16xf32>,
        %add3A_186 = arith.addf %add3A_176, %get3A_185 : vector<16xf32>
        %get3A_187 = arith.index_cast %scan3A_182 : i32 to index
        %get3A_188 = arith.constant 16 : index
        %get3A_189 = tpu.vector_load %arg10[%get3A_187, %get3A_188] {strides = array<i32>} : memref<200x32xf32, #tpu.memory_space<vmem>>, vector<16xf32>,
        %add3A_190 = arith.addf %add3A_180, %get3A_189 : vector<16xf32>
        %scan3A_191 = arith.constant 6 : i32
        %scan3A_192 = arith.addi %scan3A_131, %scan3A_191 : i32
        %get3A_193 = arith.index_cast %scan3A_192 : i32 to index
        %get3A_194 = arith.constant 0 : index
        %get3A_195 = tpu.vector_load %arg10[%get3A_193, %get3A_194] {strides = array<i32>} : memref<200x32xf32, #tpu.memory_space<vmem>>, vector<16xf32>,
        %add3A_196 = arith.addf %add3A_186, %get3A_195 : vector<16xf32>
        %get3A_197 = arith.index_cast %scan3A_192 : i32 to index
        %get3A_198 = arith.constant 16 : index
        %get3A_199 = tpu.vector_load %arg10[%get3A_197, %get3A_198] {strides = array<i32>} : memref<200x32xf32, #tpu.memory_space<vmem>>, vector<16xf32>,
        %add3A_200 = arith.addf %add3A_190, %get3A_199 : vector<16xf32>
        %scan3A_201 = arith.constant 7 : i32
        %scan3A_202 = arith.addi %scan3A_131, %scan3A_201 : i32
        %get3A_203 = arith.index_cast %scan3A_202 : i32 to index
        %get3A_204 = arith.constant 0 : index
        %get3A_205 = tpu.vector_load %arg10[%get3A_203, %get3A_204] {strides = array<i32>} : memref<200x32xf32, #tpu.memory_space<vmem>>, vector<16xf32>,
        %add3A_206 = arith.addf %add3A_196, %get3A_205 : vector<16xf32>
        %get3A_207 = arith.index_cast %scan3A_202 : i32 to index
        %get3A_208 = arith.constant 16 : index
        %get3A_209 = tpu.vector_load %arg10[%get3A_207, %get3A_208] {strides = array<i32>} : memref<200x32xf32, #tpu.memory_space<vmem>>, vector<16xf32>,
        %add3A_210 = arith.addf %add3A_200, %get3A_209 : vector<16xf32>
        scf.yield %add3A_206, %add3A_210 : vector<16xf32>, vector<16xf32>
      }
      %scan3A_124 = arith.constant 200 : i32
      %swap3A_125 = arith.index_cast %add3A_116 : i32 to index
      %swap3A_126 = arith.constant 0 : index
      %swap3A_127 = tpu.vector_load %arg11[%swap3A_125, %swap3A_126] {strides = array<i32>} : memref<128x32xf32, #tpu.memory_space<vmem>>, vector<16xf32>,
      tpu.vector_store %arg11[%swap3A_125, %swap3A_126], %scan3A_123#0 {strides = array<i32>} : memref<128x32xf32, #tpu.memory_space<vmem>>, vector<16xf32>,
      %swap3A_128 = arith.index_cast %add3A_116 : i32 to index
      %swap3A_129 = arith.constant 16 : index
      %swap3A_130 = tpu.vector_load %arg11[%swap3A_128, %swap3A_129] {strides = array<i32>} : memref<128x32xf32, #tpu.memory_space<vmem>>, vector<16xf32>,
      tpu.vector_store %arg11[%swap3A_128, %swap3A_129], %scan3A_123#1 {strides = array<i32>} : memref<128x32xf32, #tpu.memory_space<vmem>>, vector<16xf32>,
    }
    %scan3A_33 = arith.constant 64 : i32
    %dma_wait3A = arith.constant 0 : i32
    %dma_wait3A_34 = arith.constant 0 : i32
    %dma_wait3A_35 = tpu.memref_slice %arg4[%dma_wait3A, %dma_wait3A_34] : memref<1000000x32xf32, #tpu.memory_space<hbm>> -> memref<1000000x32xf32, #tpu.memory_space<hbm>>
    tpu.wait_indirect_dma semaphore(%arg15 : memref<!tpu.dma_semaphore, #tpu.memory_space<semaphore_mem>>) src(%dma_wait3A_35 : memref<1000000x32xf32, #tpu.memory_space<hbm>>) dst(%arg12 : memref<128x32xf32, #tpu.memory_space<vmem>>)
    %scan3A_36 = arith.constant 0 : i32
    %scan3A_37 = arith.constant 0 : i32
    %scan3A_38 = arith.constant 128 : i32
    %scan3A_39 = arith.addi %scan3A_37, %scan3A_38 : i32
    %scan3A_40 = arith.constant 1 : i32
    scf.for %scan3A_42 = %scan3A_37 to %scan3A_39 step %scan3A_40  : i32 {
      %get3A = arith.index_cast %scan3A_42 : i32 to index
      %get3A_43 = arith.constant 0 : index
      %get3A_44 = tpu.vector_load %arg11[%get3A, %get3A_43] {strides = array<i32>} : memref<128x32xf32, #tpu.memory_space<vmem>>, vector<16xf32>,
      %get3A_45 = arith.index_cast %scan3A_42 : i32 to index
      %get3A_46 = arith.constant 16 : index
      %get3A_47 = tpu.vector_load %arg11[%get3A_45, %get3A_46] {strides = array<i32>} : memref<128x32xf32, #tpu.memory_space<vmem>>, vector<16xf32>,
      %get3A_48 = arith.index_cast %scan3A_42 : i32 to index
      %get3A_49 = arith.constant 0 : index
      %get3A_50 = tpu.vector_load %arg12[%get3A_48, %get3A_49] {strides = array<i32>} : memref<128x32xf32, #tpu.memory_space<vmem>>, vector<16xf32>,
      %get3A_51 = arith.index_cast %scan3A_42 : i32 to index
      %get3A_52 = arith.constant 16 : index
      %get3A_53 = tpu.vector_load %arg12[%get3A_51, %get3A_52] {strides = array<i32>} : memref<128x32xf32, #tpu.memory_space<vmem>>, vector<16xf32>,
      %mul3A_54 = arith.constant 9.000000e+00 : f32
      %mul3A_55 = vector.broadcast %mul3A_54 : f32 to vector<16xf32>
      %mul3A_56 = arith.mulf %mul3A_55, %get3A_50 : vector<16xf32>
      %add3A_57 = arith.addf %get3A_44, %mul3A_56 : vector<16xf32>
      %mul3A_58 = arith.constant 0.00478468882 : f32
      %mul3A_59 = vector.broadcast %mul3A_58 : f32 to vector<16xf32>
      %mul3A_60 = arith.mulf %add3A_57, %mul3A_59 : vector<16xf32>
      %swap3A = arith.index_cast %scan3A_42 : i32 to index
      %swap3A_61 = arith.constant 0 : index
      %swap3A_62 = tpu.vector_load %arg11[%swap3A, %swap3A_61] {strides = array<i32>} : memref<128x32xf32, #tpu.memory_space<vmem>>, vector<16xf32>,
      tpu.vector_store %arg11[%swap3A, %swap3A_61], %mul3A_60 {strides = array<i32>} : memref<128x32xf32, #tpu.memory_space<vmem>>, vector<16xf32>,
      %mul3A_63 = arith.constant 9.000000e+00 : f32
      %mul3A_64 = vector.broadcast %mul3A_63 : f32 to vector<16xf32>
      %mul3A_65 = arith.mulf %mul3A_64, %get3A_53 : vector<16xf32>
      %add3A_66 = arith.addf %get3A_47, %mul3A_65 : vector<16xf32>
      %mul3A_67 = arith.constant 0.00478468882 : f32
      %mul3A_68 = vector.broadcast %mul3A_67 : f32 to vector<16xf32>
      %mul3A_69 = arith.mulf %add3A_66, %mul3A_68 : vector<16xf32>
      %swap3A_70 = arith.index_cast %scan3A_42 : i32 to index
      %swap3A_71 = arith.constant 16 : index
      %swap3A_72 = tpu.vector_load %arg11[%swap3A_70, %swap3A_71] {strides = array<i32>} : memref<128x32xf32, #tpu.memory_space<vmem>>, vector<16xf32>,
      tpu.vector_store %arg11[%swap3A_70, %swap3A_71], %mul3A_69 {strides = array<i32>} : memref<128x32xf32, #tpu.memory_space<vmem>>, vector<16xf32>,
    }
    %scan3A_41 = arith.constant 128 : i32
    "tpu.region"() ({
      %run_scoped3A = tpu.sem_alloc : memref<!tpu.dma_semaphore, #tpu.memory_space<semaphore_mem>>
      %dma_start3A_42 = arith.constant 0 : i32
      %dma_start3A_43 = tpu.memref_slice %arg5[%mul3A_2, %dma_start3A_42] : memref<4096x32xf32, #tpu.memory_space<hbm>> -> memref<128x32xf32, #tpu.memory_space<hbm>>
      %dma_start3A_44 = arith.constant 0 : i32
      %dma_start3A_45 = tpu.memref_slice %arg5[%mul3A_2, %dma_start3A_44] : memref<4096x32xf32, #tpu.memory_space<hbm>> -> memref<128x32xf32, #tpu.memory_space<hbm>>
      tpu.enqueue_dma source(%arg11 : memref<128x32xf32, #tpu.memory_space<vmem>>) target(%dma_start3A_45 : memref<128x32xf32, #tpu.memory_space<hbm>>) target_semaphore(%run_scoped3A : memref<!tpu.dma_semaphore, #tpu.memory_space<semaphore_mem>>)
      %dma_wait3A_46 = arith.constant 0 : i32
      %dma_wait3A_47 = tpu.memref_slice %arg5[%mul3A_2, %dma_wait3A_46] : memref<4096x32xf32, #tpu.memory_space<hbm>> -> memref<128x32xf32, #tpu.memory_space<hbm>>
      %dma_wait3A_48 = arith.constant 0 : i32
      %dma_wait3A_49 = tpu.memref_slice %arg5[%mul3A_2, %dma_wait3A_48] : memref<4096x32xf32, #tpu.memory_space<hbm>> -> memref<128x32xf32, #tpu.memory_space<hbm>>
      tpu.wait_dma2 semaphore(%run_scoped3A : memref<!tpu.dma_semaphore, #tpu.memory_space<semaphore_mem>>) src(%arg11 : memref<128x32xf32, #tpu.memory_space<vmem>>) dst(%dma_wait3A_49 : memref<128x32xf32, #tpu.memory_space<hbm>>)
      tpu.yield
    }) : () -> ()
    return
  }
}

</mosaic_0001>

<sc_bundles>
// kernel: kernel.3.cloned.1.call-start
scs
__scs_entry_jumppad:
0x0: {  	(pc) =	sbr.rel $0x88, $3  }
0x1: {  	(tag) =	ssettag $0x0;
	lr =	simm.s32 $0x1  }
0x2: {  	[smem:$0x3F9E] =	sst lr;
	_ =	strace $0xD0000000  }
0x3: {  	_ = 	snop  }
0x4: {  	_ = 	snop  }
0x5: {  	_ = 	snop  }
0x6: {  	_ = 	snop  }
0x7: {  	_ = 	snop  }
__scs_overlays_trampoline_lowered:
0x8: {  	[smem:$0x3FAD] =	sst s0  }
0x9: {  	[smem:$0x3FAE] =	sst s1  }
0xa: {  	[smem:$0x3FAF] =	sst s2  }
0xb: {  	[smem:$0x3FB0] =	sst s3  }
0xc: {  	[smem:$0x3FB1] =	sst s4  }
0xd: {  	[smem:$0x3FB2] =	sst s5  }
0xe: {  	[smem:$0x3FB3] =	sst s6  }
0xf: {  	[smem:$0x3FB4] =	sst s7  }
0x10: {  	[smem:$0x3FB5] =	sst s8  }
0x11: {  	[smem:$0x3FB6] =	sst s9;
	s0 =	simm.s32 @!p0 $0x0  }
0x12: {  	s1 =	sld [smem:$0x3F9C];
	s0 =	simm.s32 @p0 $0x1  }
0x13: {  	[smem:$0x3FB7] =	sst s0;
	s0 =	simm.s32 @!p1 $0x0  }
0x14: {  	s2 =	sld [smem:$0x3F9B];
	s0 =	simm.s32 @p1 $0x1  }
0x15: {  	[smem:$0x3FB8] =	sst s0;
	s0 =	simm.s32 @!p2 $0x0  }
0x16: {  	s3 =	sld [smem:$0x3FDB];
	s0 =	simm.s32 @p2 $0x1  }
0x17: {  	s4 =	simm.s32 $0x1BF5;
	[smem:$0x3FBA] =	sst s0  }
0x18: {  	s0 =	sld [smem:$0x3F9D];
	_ =	swait.ge [sflag:s4], $0x0  }
0x19: {  	s7 =	sld [smem:$0x3F9E]  }
0x1a: {  	s8 =	sadd.s32 $0xFFFFE003, lr  }
0x1b: {  	s9 =	sadd.s32 $0xFFFFFEF7, lr;
	s5 =	simm.s32 $0xFFFFFFFF;
	p2 =	slt.u32 s8, $0xFFFFF086  }
0x1c: {  	p1 =	slt.u32 s9, $0xF7A;
	s5 =	simm.s32 @!p2 $0x0  }
0x1d: {  	s5 =	simm.s32 @p1 $0x1;
	p0 =	seq.s32 s7, s2  }
0x1e: {  	s7 =	smul.u32 @!p0 $0xF7A, s2;
	p2 =	seq.s32 @!p0 s5, $0x0  }
0x1f: {  	s9 =	smul.u32 $0xF7A, s1;
	s8 =	simm.s32 @!p0 $0x1BF5;
	p2 =	por !p2, p0  }
0x20: {  	[sflag:s8] =	ssyncset.s32 @!p0 $0xFFFFF086;
	s6 =	sadd.s32 @!p0 s3, s7;
	s7 =	simm.s32 @!p0 $0x108  }
0x21: {  	s3 =	sadd.s32 s3, s9;
	s6 =	sadd.s32 @!p0 $0x88, s6;
	s7 =	simm.s32 @p2 $0x1082  }
0x22: {  	[simem:s7], [sflag:s8] =	dma.local @!p0 [hbm:s6], $0xF7A  }
0x23: {  	s9 =	sor.u32 $0xD0000000, s2;
	s6 =	simm.s32 $0x108;
	_ =	swait.ge @!p0 [sflag:s8], $0x0  }
0x24: {  	s3 =	sadd.s32 $0x88, s3;
	s6 =	simm.s32 @!p1 $0x1082;
	[sflag:s4] =	ssyncset.s32 $0xFFFFF086  }
0x25: {  	[simem:s6], [sflag:s4] =	dma.local [hbm:s3], $0xF7A  }
0x26: {  	[smem:$0x3F9E] =	sst s1;
	(tag) =	ssettag s2;
	_ =	strace s9  }
0x27: {  	s1 =	sld [smem:$0x3FAE]  }
0x28: {  	s2 =	sld [smem:$0x3FAF]  }
0x29: {  	s4 =	sld [smem:$0x3FB1]  }
0x2a: {  	p0 =	seq.s32 s5, $0x0;
	s5 =	sld [smem:$0x3FB2]  }
0x2b: {  	s6 =	sld [smem:$0x3FB3]  }
0x2c: {  	s7 =	sld [smem:$0x3FB4]  }
0x2d: {  	s3 =	simm.s32 $0x108;
	s8 =	sld [smem:$0x3FB5]  }
0x2e: {  	s3 =	simm.s32 @!p0 $0x1082;
	s9 =	sld [smem:$0x3FB6]  }
0x2f: {  	lr =	sadd.s32 s0, s3;
	s0 =	sld [smem:$0x3FAD]  }
0x30: {  	s3 =	sld [smem:$0x3FB0]  }
0x31: {  	[smem:$0x3FB9] =	sst s10  }
0x32: {  	s10 =	sld [smem:$0x3FB7];
	_ =	sdelay $0x3  }
0x33: {  	p0 =	seq.s32 s10, $0x1;
	s10 =	sld [smem:$0x3FB9];
	_ =	sdelay $0x3  }
0x34: {  	[smem:$0x3FB9] =	sst s10  }
0x35: {  	s10 =	sld [smem:$0x3FB8];
	_ =	sdelay $0x3  }
0x36: {  	p1 =	seq.s32 s10, $0x1;
	s10 =	sld [smem:$0x3FB9];
	_ =	sdelay $0x3  }
0x37: {  	[smem:$0x3FB9] =	sst s10  }
0x38: {  	s10 =	sld [smem:$0x3FBA]  }
0x39: {  	_ = 	snop;
	(pc) =	sbr.ind lr, $3  }
0x3a: {  	_ = 	snop  }
0x3b: {  	_ = 	snop  }
0x3c: {  	p2 =	seq.s32 s10, $0x1;
	s10 =	sld [smem:$0x3FB9]  }
0x3d: {  	_ =	shalt  }
0x3e: {  	_ =	shalt  }
0x3f: {  	_ =	shalt  }
0x40: {  	_ =	shalt  }
0x41: {  	_ =	shalt  }
0x42: {  	_ =	shalt  }
0x43: {  	_ =	shalt  }
0x44: {  	_ =	shalt  }
0x45: {  	_ =	shalt  }
0x46: {  	_ =	shalt  }
0x47: {  	_ =	shalt  }
0x48: {  	_ =	shalt  }
0x49: {  	_ =	shalt  }
0x4a: {  	_ =	shalt  }
0x4b: {  	_ =	shalt  }
0x4c: {  	_ =	shalt  }
0x4d: {  	_ =	shalt  }
0x4e: {  	_ =	shalt  }
0x4f: {  	_ =	shalt  }
0x50: {  	_ =	shalt  }
0x51: {  	_ =	shalt  }
0x52: {  	_ =	shalt  }
0x53: {  	_ =	shalt  }
0x54: {  	_ =	shalt  }
0x55: {  	_ =	shalt  }
0x56: {  	_ =	shalt  }
0x57: {  	_ =	shalt  }
0x58: {  	_ =	shalt  }
0x59: {  	_ =	shalt  }
0x5a: {  	_ =	shalt  }
0x5b: {  	_ =	shalt  }
0x5c: {  	_ =	shalt  }
0x5d: {  	_ =	shalt  }
0x5e: {  	_ =	shalt  }
0x5f: {  	_ =	shalt  }
0x60: {  	_ =	shalt  }
0x61: {  	_ =	shalt  }
0x62: {  	_ =	shalt  }
0x63: {  	_ =	shalt  }
0x64: {  	_ =	shalt  }
0x65: {  	_ =	shalt  }
0x66: {  	_ =	shalt  }
0x67: {  	_ =	shalt  }
0x68: {  	_ =	shalt  }
0x69: {  	_ =	shalt  }
0x6a: {  	_ =	shalt  }
0x6b: {  	_ =	shalt  }
0x6c: {  	_ =	shalt  }
0x6d: {  	_ =	shalt  }
0x6e: {  	_ =	shalt  }
0x6f: {  	_ =	shalt  }
0x70: {  	_ =	shalt  }
0x71: {  	_ =	shalt  }
0x72: {  	_ =	shalt  }
0x73: {  	_ =	shalt  }
0x74: {  	_ =	shalt  }
0x75: {  	_ =	shalt  }
0x76: {  	_ =	shalt  }
0x77: {  	_ =	shalt  }
0x78: {  	_ =	shalt  }
0x79: {  	_ =	shalt  }
0x7a: {  	_ =	shalt  }
0x7b: {  	_ =	shalt  }
0x7c: {  	_ =	shalt  }
0x7d: {  	_ =	shalt  }
0x7e: {  	_ =	shalt  }
0x7f: {  	_ =	shalt  }
0x80: {  	_ =	shalt  }
0x81: {  	_ =	shalt  }
0x82: {  	_ =	shalt  }
0x83: {  	_ =	shalt  }
0x84: {  	_ =	shalt  }
0x85: {  	_ =	shalt  }
0x86: {  	_ =	shalt  }
0x87: {  	_ =	shalt  }
.Lfunc_end0:
.L_simem_size_0:
called_computation_lowered:
.L_overlay_start_0:
0x88: {  	s2 =	sld [smem:$0x3FD9]  }
0x89: {  	s3 =	sld [smem:$0x3FFE];
	_ =	sdelay $0x1  }
0x8a: {  	s1 =	srdreg.scid  }
0x8b: {  	s0 =	sand.u32 $0x1, s1  }
0x8c: {  	s17 =	sshll.u32 s0, $0xA;
	s2 =	sadd.s32 s3, s2  }
0x8d: {  	s2 =	sadd.s32 s2, s17  }
0x8e: {  	[smem:$0x3FC5] =	sst s2  }
0x8f: {  	_ = 	snop  }
0x90: {  	s2 =	sld [smem:$0x3FC8]  }
0x91: {  	s18 =	sld [smem:$0x3FD0];
	(tm) =	ssettm $0x1  }
0x92: {  	s4 =	sld [smem:$0x3FFB];
	_ =	sdelay $0x3  }
0x93: {  	_ =	strace s4  }
0x94: {  	s4 =	sld [smem:$0x3FFC];
	_ =	sdelay $0x3  }
0x95: {  	_ =	strace s4  }
0x96: {  	s4 =	sld [smem:$0x3FFD];
	_ =	sdelay $0x3  }
0x97: {  	_ =	strace s4  }
0x98: {  	_ =	strace $0x8FFFFFFF  }
0x99: {  	s19 =	sld [smem:$0x3FDB];
	_ =	sdelay $0x1  }
0x9a: {  	s5 =	simm.s32 $_scs_section_size  }
0x9b: {  	s6 =	simm.s32 $_size__tile_overlayer_lowered;
	s7 =	simm.s32 $_tile_overlayer_lowered  }
0x9c: {  	s22 =	simm.s32 $0x1BFF;
	s21 =	sshll.u32 s7, $0x1;
	s4 =	sadd.s32 s5, s19  }
0x9d: {  	s8 =	simm.s32 $0x0;
	s20 =	sshll.u32 s6, $0x1;
	s6 =	sadd.s32 s21, s4  }
0x9e: {  	[timem:s8], [sflag:s22] =	dma.local [hbm:s6], s20  }
0x9f: {  	_ =	swait.ge [sflag:s22], s20  }
0xa0: {  	s5 =	ssub.s32 $0x0, s20;
	[sflag:s22] =	ssyncset.done $0x0  }
0xa1: {  	[sflag:s22] =	ssyncadd.s32 s5;
	_ =	sdelay $0x1  }
0xa2: {  	s23 =	simm.s32 $0x1B8B  }
0xa3: {  	_ =	swait.ge [sflag:s23], $0x1  }
0xa4: {  	[sflag:s23] =	ssyncset.done $0x0  }
0xa5: {  	s25 =	simm.s32 $0x1B8E;
	s24 =	sld [smem:$0x3FFE];
	[sflag:s23] =	ssyncadd.s32 $0xFFFFFFFF  }
0xa6: {  	s26 =	simm.s32 $execute0_lowered;
	[smem:$0x3FD2] =	sst s25  }
0xa7: {  	s6 =	sshll.u32 s26, $0x1;
	_ =	strace $0x80000046;
	[dreg:$0x1] =	wrdreg $0xFFFFFFFF  }
0xa8: {  	s28 =	simm.s32 $_size_execute0_lowered;
	s4 =	sadd.s32 s4, s6;
	[dreg:$0x0] =	wrdreg $0x0  }
0xa9: {  	s6 =	sshll.u32 s28, $0x1;
	[dreg:$0x2] =	wrdreg s4  }
0xaa: {  	[dreg:$0x3] =	wrdreg s6  }
0xab: {  	[dreg:$0x4] =	wrdreg $0xC0  }
0xac: {  	_ =	task [dreg:s8], $0x5FFFF  }
0xad: {  	[dreg:$0x1] =	wrdreg $0xFFFFFFFF  }
0xae: {  	[dreg:$0x0] =	wrdreg $0x60  }
0xaf: {  	[dreg:$0x2] =	wrdreg s24  }
0xb0: {  	[dreg:$0x3] =	wrdreg s2  }
0xb1: {  	[dreg:$0x4] =	wrdreg s18  }
0xb2: {  	[dreg:$0x5] =	wrdreg $0x9  }
0xb3: {  	_ =	task.clear_ibuf [dreg:s8], $0x6FFFF;
	_ =	strace $0x90000046  }
0xb4: {  	s29 =	simm.s32 $0x9;
	_ =	strace $0x80000048  }
0xb5: {  	_ =	swait.ge [sflag:s29], $0x1  }
0xb6: {  	[sflag:s29] =	ssyncadd.s32 $0xFFFFFFFF  }
0xb7: {  	_ =	strace $0x90000048  }
0xb8: {  	_ =	sfence  }
0xb9: {  	s30 =	sld [smem:$0x0];
	_ =	sdelay $0x2  }
0xba: {  	s31 =	sshll.u32 s1, $0xD;
	s1 =	sshrl.u32 s1, $0x2  }
0xbb: {  	s3 =	sand.u32 $0x4000, s31;
	s1 =	sadd.s32 s1, s30  }
0xbc: {  	s0 =	sor.u32 s3, s0;
	s1 =	sshll.u32 s1, $0x11  }
0xbd: {  	s0 =	sor.u32 s1, s0  }
0xbe: {  	s0 =	sadd.s32 $0x8F2B, s0  }
0xbf: {  	[sflag:s0] =	ssyncadd.remote.s32 $0x1  }
0xc0: {  	_ =	sfence.sel $0xFFFF  }
0xc1: {  	[dreg:$0x0] =	wrdreg $0xFFFFFFFF;
	(pc) =	sbr.abs _section_cstart, $3  }
0xc2: {  	[dreg:$0x1] =	wrdreg $0xFFFFFFFF  }
0xc3: {  	_ =	task.clear_ibuf [dreg:s8], $0x2FFFF;
	_ =	strace $0x9FFFFFFF  }
0xc4: {  	(tm) =	ssettm $0x7FFFFFFF  }
0xc5: {  	_ =	shalt  }
tec
execute0_lowered:
.L_overlay_start_1:
0x0: {  	(tag) =	ssettag $0x1  }
0x1: {  	s3 =	rddreg [dreg:$0x0]  }
0x2: {  	s5 =	rddreg [dreg:$0x1];
	s1 =	srdreg.scid  }
0x3: {  	s0 =	stileid.u32;
	s6 =	rddreg [dreg:$0x2]  }
0x4: {  	s2 =	simm.s32 $0x0;
	s11 =	simm.s32 $0xA700;
	s12 =	simm.s32 $0x6500  }
0x5: {  	s13 =	simm.s32 $0x48;
	s14 =	simm.s32 $0x7500;
	s15 =	simm.s32 $0x7E00  }
0x6: {  	s16 =	simm.s32 $0x8E00;
	s17 =	simm.s32 $0x1;
	s18 =	simm.s32 $0x2  }
0x7: {  	s19 =	simm.s32 $0x3;
	s20 =	simm.s32 $0x9700;
	s21 =	simm.s32 $0x0  }
0x8: {  	s4 =	sand.u32 $0x1, s1;
	s7 =	sshll.u32 s0, $0x1;
	s1 =	rddreg [dreg:$0x3]  }
0x9: {  	[smem:$0x7FF] =	sst s2;
	s7 =	sor.u32 s4, s7;
	s4 =	ssub.s32 $0x2, s4  }
0xa: {  	_ =	strace $0x80000047;
	s8 =	smul.u32 $0xC80, s7;
	s9 =	sshrl.u32 s4, $0x1  }
0xb: {  	s10 =	sshll.u32 s7, $0x4;
	s7 =	sshll.u32 s7, $0x9;
	s9 =	ssub.s32 s4, s9  }
0xc: {  	s5 =	sadd.s32 s5, s10;
	s6 =	sadd.s32 s6, s7;
	s10 =	simm.s32 $0x6480  }
0xd: {  	v0 =	vlaneseq.u32;
	s8 =	sadd.s32 s8, s3;
	s3 =	sadd.s32 $0xF42A00, s3;
	s7 =	smax.u32 s9, $0x1  }
0xe: {  	v0 =	vmul.u32 $0xC8, v0;
	s9 =	simm.s32 $0x80;
	s4 =	sadd.s32 $0x600, s8;
	s8 =	simm.s32 $0x4  }
.LBB2_1:
0xf: {  	[tilespmem:s2], [sflag:$0x4] =	stream.linear.gather [hbm4b:s4+s2], $0x6400, $0x38;
	[tilespmem:$0xB700] =	vst v63  }
0x10: {  	_ =	swait.ge [sflag:s8], $0x6400  }
0x11: {  	[sflag:s8] =	ssyncset.done $0x0  }
0x12: {  	s22 =	simm.s32 $0x6400;
	[sflag:s8] =	ssyncadd.s32 $0xFFFF9C00  }
0x13: {  	[tilespmem:s22], [sflag:$0x4] =	stream.linear.gather [hbm4b:s5+s2], $0x80, $0x38;
	[tilespmem:$0xB700] =	vst v63  }
0x14: {  	_ =	swait.ge [sflag:s8], $0x80  }
0x15: {  	[sflag:s8] =	ssyncset.done $0x0  }
0x16: {  	[sflag:s8] =	ssyncadd.s32 $0xFFFFFF80  }
0x17: {  	v1 =	vmov s2;
	v2 =	vld [tilespmem:s22+$0x0]  }
0x18: {  	v1 =	vmul.u32 $0xC8, v1;
	_ =	sdelay $0x1  }
0x19: {  	v1 =	vbroadcast v1, $0x0;
	_ =	sdelay $0x1  }
0x1a: {  	v1 =	vadd.s32 v2, v1  }
0x1b: {  	v1 =	vadd.s32 v0, v1;
	_ =	sdelay $0x4  }
0x1c: {  	v1 =	vld.idx.msk [tilespmem:v1+s2+$0x0], $0xffff;
	_ =	sdelay $0x4  }
0x1d: {  	s31 =	simm.s32 $0x10;
	s23 =	simm.s32 $0x6410;
	[tilespmem:s10+$0x0] =	vst v1  }
0x1e: {  	s24 =	simm.s32 $0x20;
	s22 =	simm.s32 $0x6480;
	v2 =	vmov s31;
	v1 =	vld [tilespmem:s23+$0x0]  }
.LBB2_2:
0x1f: {  	p0 =	sne.s32 s24, $0x70;
	v2 =	vmul.u32 $0xC8, v2;
	_ =	sdelay $0x1  }
0x20: {  	v2 =	vbroadcast v2, $0x0;
	_ =	sdelay $0x1  }
0x21: {  	v1 =	vadd.s32 v1, v2  }
0x22: {  	v1 =	vadd.s32 v0, v1;
	_ =	sdelay $0x4  }
0x23: {  	v1 =	vld.idx.msk [tilespmem:v1+s2+$0x0], $0xffff;
	_ =	sdelay $0x2  }
.Ltmp0:
0x24: {  	(pc) =	sbr.rel @p0 .LBB2_2-.Ltmp0, $4  }
0x25: {  	_ = 	snop  }
0x26: {  	s22 =	sadd.s32 $0x10, s22  }
0x27: {  	s23 =	sadd.s32 $0x10, s23;
	[tilespmem:s22+$0x0] =	vst v1  }
0x28: {  	v2 =	vmov s24;
	s24 =	sadd.s32 $0x10, s24;
	v1 =	vld [tilespmem:s23+$0x0]  }
0x29: {  	v2 =	vmul.u32 $0xC8, v2;
	_ =	sdelay $0x1  }
0x2a: {  	v2 =	vbroadcast v2, $0x0;
	_ =	sdelay $0x1  }
0x2b: {  	v1 =	vadd.s32 v1, v2  }
0x2c: {  	v1 =	vadd.s32 v0, v1;
	_ =	sdelay $0x4  }
0x2d: {  	v1 =	vld.idx.msk [tilespmem:v1+s2+$0x0], $0xffff;
	_ =	sdelay $0x3  }
0x2e: {  	s22 =	sadd.s32 $0x10, s22  }
0x2f: {  	[tilespmem:s22+$0x0] =	vst v1  }
0x30: {  	[tilespmem:s11], [sflag:$0x3] =	stream.indirect.gather [hbm4b:s3+s9], $0x20, s10, s9, $0xb8;
	[tilespmem:$0xB700] =	vst v63  }
0x31: {  	s22 =	simm.s32 $0x0  }
0x32: {  	[tilespmem:s12], [sflag:$0x1] =	stream.indirect.gather [hbm4b:s3+s9], $0x20, s22, s9, $0xb8;
	[tilespmem:$0xB700] =	vst v63  }
0x33: {  	_ = 	snop  }
0x34: {  	[tilespmem:s14], [sflag:$0x1] =	stream.indirect.gather [hbm4b:s3+s13], $0x20, s9, s13, $0xb8;
	[tilespmem:$0xB700] =	vst v63  }
.LBB2_4:
0x35: {  	s23 =	sshllo.u32 s22, $0x1  }
0x36: {  	s24 =	smul.u32 $0x320, s23;
	_ =	sdelay $0x1  }
0x37: {  	s24 =	sshra.s32 s24, $0x2  }
0x38: {  	[tilespmem:s15], [sflag:$0x2] =	stream.indirect.gather [hbm4b:s3+s9], $0x20, s24, s9, $0xb8;
	[tilespmem:$0xB700] =	vst v63  }
0x39: {  	s24 =	sadd.s32 $0x80, s24  }
0x3a: {  	[tilespmem:s16], [sflag:$0x2] =	stream.indirect.gather [hbm4b:s3+s13], $0x20, s24, s13, $0xb8;
	[tilespmem:$0xB700] =	vst v63  }
0x3b: {  	_ =	swait.ge [sflag:s17], $0x1000  }
0x3c: {  	[sflag:s17] =	ssyncset.done $0x0  }
0x3d: {  	[sflag:s17] =	ssyncadd.s32 $0xFFFFF000  }
0x3e: {  	_ =	swait.ge [sflag:s17], $0x900  }
0x3f: {  	[sflag:s17] =	ssyncset.done $0x0  }
0x40: {  	s25 =	simm.s32 $0x6580;
	[sflag:s17] =	ssyncadd.s32 $0xFFFFF700  }
0x41: {  	v1 =	vld [tilespmem:s25+$0xFFFFFF80]  }
0x42: {  	v2 =	vld [tilespmem:s25+$0xFFFFFF90]  }
0x43: {  	v3 =	vld [tilespmem:s25+$0xFFFFFFA0]  }
0x44: {  	v4 =	vld [tilespmem:s25+$0xFFFFFFB0]  }
0x45: {  	v5 =	vld [tilespmem:s25+$0xFFFFFFC0]  }
0x46: {  	v7 =	vimm.f32 $0.0e+00;
	v6 =	vld [tilespmem:s25+$0xFFFFFFD0]  }
0x47: {  	v8 =	vld [tilespmem:s25+$0xFFFFFFE0];
	v1 =	vadd.f32 v1, v7;
	v2 =	vadd.f32 v2, v7  }
0x48: {  	v7 =	vld [tilespmem:s25+$0xFFFFFFF0]  }
0x49: {  	v9 =	vld [tilespmem:s25+$0x0];
	v3 =	vadd.f32 v3, v1;
	v2 =	vadd.f32 v4, v2  }
0x4a: {  	v10 =	vld [tilespmem:s25+$0x10]  }
0x4b: {  	v1 =	vld [tilespmem:s25+$0x20];
	v3 =	vadd.f32 v5, v3;
	v5 =	vadd.f32 v6, v2  }
0x4c: {  	v4 =	vld [tilespmem:s25+$0x30]  }
0x4d: {  	v2 =	vld [tilespmem:s25+$0x40];
	v6 =	vadd.f32 v8, v3;
	v8 =	vadd.f32 v7, v5  }
0x4e: {  	v5 =	vld [tilespmem:s25+$0x50]  }
0x4f: {  	v3 =	vld [tilespmem:s25+$0x60];
	v7 =	vadd.f32 v9, v6;
	v8 =	vadd.f32 v10, v8  }
0x50: {  	s24 =	simm.s32 $0x0;
	v6 =	vld [tilespmem:s25+$0x70];
	s25 =	simm.s32 $0x6680  }
.LBB2_5:
0x51: {  	v9 =	vld [tilespmem:s25+$0xFFFFFF80];
	v1 =	vadd.f32 v1, v7;
	v4 =	vadd.f32 v4, v8  }
0x52: {  	s24 =	sadd.s32 $0x8, s24;
	v7 =	vld [tilespmem:s25+$0xFFFFFF90]  }
0x53: {  	p0 =	slt.u32 s24, $0xC0;
	v8 =	vld [tilespmem:s25+$0xFFFFFFA0];
	v1 =	vadd.f32 v2, v1;
	v2 =	vadd.f32 v5, v4  }
0x54: {  	v4 =	vld [tilespmem:s25+$0xFFFFFFB0]  }
0x55: {  	v5 =	vld [tilespmem:s25+$0xFFFFFFC0];
	v1 =	vadd.f32 v3, v1;
	v2 =	vadd.f32 v6, v2  }
0x56: {  	v3 =	vld [tilespmem:s25+$0xFFFFFFD0]  }
0x57: {  	v1 =	vadd.f32 v9, v1;
	v2 =	vadd.f32 v7, v2;
	v6 =	vld [tilespmem:s25+$0xFFFFFFE0]  }
0x58: {  	v7 =	vld [tilespmem:s25+$0xFFFFFFF0]  }
0x59: {  	v1 =	vadd.f32 v8, v1;
	v2 =	vadd.f32 v4, v2;
	v8 =	vld [tilespmem:s25+$0x0]  }
0x5a: {  	v9 =	vld [tilespmem:s25+$0x10]  }
0x5b: {  	v5 =	vadd.f32 v5, v1;
	v2 =	vadd.f32 v3, v2;
	v1 =	vld [tilespmem:s25+$0x20]  }
.Ltmp1:
0x5c: {  	v4 =	vld [tilespmem:s25+$0x30];
	(pc) =	sbr.rel @p0 .LBB2_5-.Ltmp1, $4  }
0x5d: {  	v3 =	vadd.f32 v6, v5;
	v6 =	vadd.f32 v7, v2;
	v2 =	vld [tilespmem:s25+$0x40]  }
0x5e: {  	v5 =	vld [tilespmem:s25+$0x50]  }
0x5f: {  	v7 =	vadd.f32 v8, v3;
	v8 =	vadd.f32 v9, v6;
	v3 =	vld [tilespmem:s25+$0x60]  }
0x60: {  	v6 =	vld [tilespmem:s25+$0x70];
	s25 =	sadd.s32 $0x100, s25  }
0x61: {  	v1 =	vadd.f32 v1, v7  }
0x62: {  	v4 =	vadd.f32 v4, v8  }
0x63: {  	v1 =	vadd.f32 v2, v1  }
0x64: {  	p0 =	seq.s32 s22, $0x3F;
	v2 =	vadd.f32 v5, v4  }
0x65: {  	s24 =	sshll.u32 s22, $0x6;
	s25 =	smul.u32 @!p0 $0x640, s22;
	v1 =	vadd.f32 v3, v1  }
0x66: {  	s24 =	sand.u32 $0x3FFFFFC0, s24;
	v2 =	vadd.f32 v6, v2  }
0x67: {  	s25 =	sshra.s32 @!p0 s25, $0x2;
	[tilespmem:s24+$0x9700] =	vst v1  }
0x68: {  	s26 =	simm.s32 @!p0 $0x80;
	s28 =	simm.s32 @!p0 $0x6500;
	[tilespmem:s24+$0x9710] =	vst v2;
	s24 =	sadd.s32 @!p0 $0x190, s25  }
0x69: {  	[tilespmem:s28], [sflag:$0x1] =	stream.indirect.gather @!p0 [hbm4b:s3+s26], $0x20, s24, s26, $0xb8;
	[tilespmem:$0xB700] =	vst v63  }
0x6a: {  	s24 =	sadd.s32 @!p0 $0x210, s25;
	s25 =	simm.s32 @!p0 $0x48;
	s26 =	simm.s32 @!p0 $0x7500  }
0x6b: {  	[tilespmem:s26], [sflag:$0x1] =	stream.indirect.gather @!p0 [hbm4b:s3+s25], $0x20, s24, s25, $0xb8;
	[tilespmem:$0xB700] =	vst v63  }
0x6c: {  	_ =	swait.ge [sflag:s18], $0x1000  }
0x6d: {  	[sflag:s18] =	ssyncset.done $0x0  }
0x6e: {  	[sflag:s18] =	ssyncadd.s32 $0xFFFFF000  }
0x6f: {  	_ =	swait.ge [sflag:s18], $0x900  }
0x70: {  	[sflag:s18] =	ssyncset.done $0x0  }
0x71: {  	s31 =	simm.s32 $0x7E80;
	[sflag:s18] =	ssyncadd.s32 $0xFFFFF700  }
0x72: {  	v1 =	vld [tilespmem:s31+$0xFFFFFF80]  }
0x73: {  	v2 =	vld [tilespmem:s31+$0xFFFFFF90]  }
0x74: {  	v3 =	vld [tilespmem:s31+$0xFFFFFFA0]  }
0x75: {  	v4 =	vld [tilespmem:s31+$0xFFFFFFB0]  }
0x76: {  	v5 =	vld [tilespmem:s31+$0xFFFFFFC0]  }
0x77: {  	v7 =	vimm.f32 $0.0e+00;
	v6 =	vld [tilespmem:s31+$0xFFFFFFD0]  }
0x78: {  	v8 =	vld [tilespmem:s31+$0xFFFFFFE0];
	v1 =	vadd.f32 v1, v7;
	v2 =	vadd.f32 v2, v7  }
0x79: {  	v7 =	vld [tilespmem:s31+$0xFFFFFFF0]  }
0x7a: {  	v9 =	vld [tilespmem:s31+$0x0];
	v3 =	vadd.f32 v3, v1;
	v2 =	vadd.f32 v4, v2  }
0x7b: {  	v10 =	vld [tilespmem:s31+$0x10]  }
0x7c: {  	v1 =	vld [tilespmem:s31+$0x20];
	v3 =	vadd.f32 v5, v3;
	v5 =	vadd.f32 v6, v2  }
0x7d: {  	v4 =	vld [tilespmem:s31+$0x30]  }
0x7e: {  	v2 =	vld [tilespmem:s31+$0x40];
	v6 =	vadd.f32 v8, v3;
	v8 =	vadd.f32 v7, v5  }
0x7f: {  	v5 =	vld [tilespmem:s31+$0x50]  }
0x80: {  	v3 =	vld [tilespmem:s31+$0x60];
	v7 =	vadd.f32 v9, v6;
	v8 =	vadd.f32 v10, v8  }
0x81: {  	s24 =	simm.s32 $0x0;
	s25 =	simm.s32 $0x7F80;
	v6 =	vld [tilespmem:s31+$0x70]  }
.LBB2_7:
0x82: {  	v9 =	vld [tilespmem:s25+$0xFFFFFF80];
	v1 =	vadd.f32 v1, v7;
	v4 =	vadd.f32 v4, v8  }
0x83: {  	s24 =	sadd.s32 $0x8, s24;
	v7 =	vld [tilespmem:s25+$0xFFFFFF90]  }
0x84: {  	p0 =	slt.u32 s24, $0xC0;
	v8 =	vld [tilespmem:s25+$0xFFFFFFA0];
	v1 =	vadd.f32 v2, v1;
	v2 =	vadd.f32 v5, v4  }
0x85: {  	v4 =	vld [tilespmem:s25+$0xFFFFFFB0]  }
0x86: {  	v5 =	vld [tilespmem:s25+$0xFFFFFFC0];
	v1 =	vadd.f32 v3, v1;
	v2 =	vadd.f32 v6, v2  }
0x87: {  	v3 =	vld [tilespmem:s25+$0xFFFFFFD0]  }
0x88: {  	v1 =	vadd.f32 v9, v1;
	v2 =	vadd.f32 v7, v2;
	v6 =	vld [tilespmem:s25+$0xFFFFFFE0]  }
0x89: {  	v7 =	vld [tilespmem:s25+$0xFFFFFFF0]  }
0x8a: {  	v1 =	vadd.f32 v8, v1;
	v2 =	vadd.f32 v4, v2;
	v8 =	vld [tilespmem:s25+$0x0]  }
0x8b: {  	v9 =	vld [tilespmem:s25+$0x10]  }
0x8c: {  	v5 =	vadd.f32 v5, v1;
	v2 =	vadd.f32 v3, v2;
	v1 =	vld [tilespmem:s25+$0x20]  }
.Ltmp2:
0x8d: {  	v4 =	vld [tilespmem:s25+$0x30];
	(pc) =	sbr.rel @p0 .LBB2_7-.Ltmp2, $4  }
0x8e: {  	v3 =	vadd.f32 v6, v5;
	v6 =	vadd.f32 v7, v2;
	v2 =	vld [tilespmem:s25+$0x40]  }
0x8f: {  	v5 =	vld [tilespmem:s25+$0x50]  }
0x90: {  	v7 =	vadd.f32 v8, v3;
	v8 =	vadd.f32 v9, v6;
	v3 =	vld [tilespmem:s25+$0x60]  }
0x91: {  	v6 =	vld [tilespmem:s25+$0x70];
	s25 =	sadd.s32 $0x100, s25  }
0x92: {  	v1 =	vadd.f32 v1, v7  }
0x93: {  	v4 =	vadd.f32 v4, v8;
	s22 =	sadd.s32 $0x1, s22  }
0x94: {  	p0 =	sne.s32 s22, $0x40;
	v1 =	vadd.f32 v2, v1  }
.Ltmp3:
0x95: {  	v2 =	vadd.f32 v5, v4;
	(pc) =	sbr.rel @p0 .LBB2_4-.Ltmp3, $4  }
0x96: {  	s23 =	sshll.u32 s23, $0x5;
	v1 =	vadd.f32 v3, v1  }
0x97: {  	s23 =	sand.u32 $0x3FFFFFE0, s23;
	v2 =	vadd.f32 v6, v2  }
0x98: {  	[tilespmem:s23+$0x9700] =	vst v1  }
0x99: {  	[tilespmem:s23+$0x9710] =	vst v2  }
0x9a: {  	_ =	swait.ge [sflag:s19], $0x1000  }
0x9b: {  	[sflag:s19] =	ssyncset.done $0x0  }
0x9c: {  	s22 =	simm.s32 $0x0;
	[sflag:s19] =	ssyncadd.s32 $0xFFFFF000  }
0x9d: {  	v1 =	vld [tilespmem:s22+$0xA700]  }
0x9e: {  	v2 =	vld [tilespmem:s22+$0xA710]  }
0x9f: {  	v3 =	vld [tilespmem:s22+$0x9700]  }
0xa0: {  	v4 =	vld [tilespmem:s22+$0x9710];
	_ =	sdelay $0x1  }
0xa1: {  	v1 =	vmul.f32 $9.000000000e+00, v1  }
0xa2: {  	v2 =	vmul.f32 $9.000000000e+00, v2  }
0xa3: {  	v1 =	vadd.f32 v1, v3  }
0xa4: {  	v3 =	vadd.f32 v2, v4  }
0xa5: {  	s23 =	simm.s32 $0x20;
	v2 =	vmul.f32 $4.784688820e-03, v1  }
0xa6: {  	s24 =	simm.s32 $0x100;
	v1 =	vld [tilespmem:s23+$0xA700];
	v3 =	vmul.f32 $4.784688820e-03, v3  }
.LBB2_10:
0xa7: {  	p0 =	sne.s32 s24, $0x3F80;
	v4 =	vld [tilespmem:s23+$0xA710];
	[tilespmem:s22+$0x9700] =	vst v2  }
0xa8: {  	v2 =	vld [tilespmem:s23+$0x9700];
	[tilespmem:s22+$0x9710] =	vst v3;
	s22 =	smov.u32 s23  }
0xa9: {  	v3 =	vld [tilespmem:s22+$0x9710];
	_ =	sdelay $0x1  }
0xaa: {  	v1 =	vmul.f32 $9.000000000e+00, v1  }
.Ltmp4:
0xab: {  	v4 =	vmul.f32 $9.000000000e+00, v4;
	(pc) =	sbr.rel @p0 .LBB2_10-.Ltmp4, $4  }
0xac: {  	v1 =	vadd.f32 v1, v2  }
0xad: {  	v3 =	vadd.f32 v4, v3  }
0xae: {  	s23 =	sshra.s32 s24, $0x2;
	v2 =	vmul.f32 $4.784688820e-03, v1  }
0xaf: {  	s24 =	sadd.s32 $0x80, s24;
	v1 =	vld [tilespmem:s23+$0xA700];
	v3 =	vmul.f32 $4.784688820e-03, v3  }
0xb0: {  	v4 =	vld [tilespmem:s23+$0xA710];
	[tilespmem:s22+$0x9700] =	vst v2  }
0xb1: {  	v2 =	vld [tilespmem:s23+$0x9700];
	[tilespmem:s22+$0x9710] =	vst v3  }
0xb2: {  	v3 =	vld [tilespmem:s23+$0x9710];
	_ =	sdelay $0x1  }
0xb3: {  	v1 =	vmul.f32 $9.000000000e+00, v1  }
0xb4: {  	v4 =	vmul.f32 $9.000000000e+00, v4  }
0xb5: {  	v1 =	vadd.f32 v1, v2  }
0xb6: {  	v2 =	vadd.f32 v4, v3  }
0xb7: {  	v1 =	vmul.f32 $4.784688820e-03, v1  }
0xb8: {  	s21 =	sadd.s32 $0x1, s21;
	v2 =	vmul.f32 $4.784688820e-03, v2  }
0xb9: {  	p0 =	sne.s32 s21, s7;
	[tilespmem:s23+$0x9700] =	vst v1  }
.Ltmp5:
0xba: {  	[tilespmem:s23+$0x9710] =	vst v2;
	(pc) =	sbr.rel @p0 .LBB2_1-.Ltmp5, $4  }
0xbb: {  	[hbm4b:s6+s2] =	stream.linear.scatter [tilespmem:s20], [sflag:$0x4], $0x1000, $0x38;
	[tilespmem:$0xB700] =	vst v63  }
0xbc: {  	_ =	swait.ge [sflag:s8], $0x1000  }
0xbd: {  	[sflag:s8] =	ssyncset.done $0x0  }
0xbe: {  	[sflag:s8] =	ssyncadd.s32 $0xFFFFF000  }
0xbf: {  	_ =	sfence.sel $0x180000  }
0xc0: {  	[bflag:$0x0] =	sbarrier.arrive $0xFFFF  }
0xc1: {  	p0 =	sne.s32 s0, $0x0;
	_ =	strace $0x90000047  }
0xc2: {  	s0 =	sadd.s32 @!p0 $0x100000, s1;
	[bflag:$0x2] =	sbarrier.arrive $0xFFFF  }
0xc3: {  	[sflag:s0] =	ssyncadd.tile.s32 @!p0 $0x1;
	_ =	shalt  }
.Lfunc_end2:
_tile_overlayer_lowered:
.L_overlay_start_2:
0xc4: {  	(tag) =	ssettag $0x2  }
0xc5: {  	s0 =	rddreg [dreg:$0x0];
	s2 =	stileid.u32  }
0xc6: {  	s1 =	rddreg [dreg:$0x1];
	p0 =	sne.s32 s2, $0x0  }
0xc7: {  	s3 =	rddreg [dreg:$0x2];
	[bflag:$0x3] =	sbarrier.arrive $0xFFFF;
	s2 =	simm.s32 @!p0 $0x1C04  }
0xc8: {  	[timem:s3], [sflag:s2] =	dma.local @!p0 [hbm:s0], s1  }
0xc9: {  	s0 =	simm.s32 @!p0 $0x4  }
0xca: {  	_ =	swait.ge @!p0 [sflag:s0], s1  }
0xcb: {  	s1 =	ssub.s32 @!p0 $0x0, s1;
	[sflag:s0] =	ssyncset.done @!p0 $0x0  }
0xcc: {  	[sflag:s0] =	ssyncadd.s32 @!p0 s1  }
0xcd: {  	[bflag:$0x3] =	sbarrier.arrive $0xFFFF  }
0xce: {  	_ =	shalt  }

</sc_bundles>
